<compile_context>
chip_gen: v7x
topology: tpu7x:2x2x1
jax: 0.10.2.dev20260603
libtpu: 0.0.44.dev20260713+nightly
codegen_flags: <defaults>
</compile_context>

<pallas_src>
import functools

import jax
import jax.numpy as jnp
from jax.experimental import pallas as pl
from jax.experimental.pallas import tpu as pltpu

_R = 512


def _mlp_body(c_ref, n_ref, w1_ref, w1b_ref, w2_ref, m_ref, o_ref, *,
              rows, S, D):
    c = c_ref[...]
    x = n_ref[...]
    w1b = w1b_ref[...]
    sn = jnp.tanh(jax.lax.dot(x, w1b, preferred_element_type=jnp.float32))
    xf = x.astype(jnp.float32)
    pn = jnp.sum((sn * xf).reshape(rows, S, D), axis=1)
    w1 = w1_ref[...]
    sc = jnp.tanh(jax.lax.dot(c, w1, preferred_element_type=jnp.float32))
    t = pn + sc * c
    agg = jax.lax.dot(t, w2_ref[...], preferred_element_type=jnp.float32)
    m = m_ref[...]
    o_ref[...] = jnp.where(m > 0.0, c, agg)


def _mlp_all_rows(center_feat, neighbor_flat, W1, W1b, W2, is_neg, *,
                  interpret=False):
    B, D = center_feat.shape
    S = neighbor_flat.shape[0] // B
    R = _R
    body = functools.partial(_mlp_body, rows=R, S=S, D=D)
    return pl.pallas_call(
        body,
        grid=(B // R,),
        in_specs=[
            pl.BlockSpec((R, D), lambda i: (i, 0)),
            pl.BlockSpec((R * S, D), lambda i: (i, 0)),
            pl.BlockSpec((D, D), lambda i: (0, 0)),
            pl.BlockSpec((D, D), lambda i: (0, 0)),
            pl.BlockSpec((D, D), lambda i: (0, 0)),
            pl.BlockSpec((R, 1), lambda i: (i, 0)),
        ],
        out_specs=pl.BlockSpec((R, D), lambda i: (i, 0)),
        out_shape=jax.ShapeDtypeStruct((B, D), jnp.float32),
        compiler_params=pltpu.CompilerParams(
            dimension_semantics=("parallel",),
        ),
        interpret=interpret,
    )(center_feat, neighbor_flat, W1, W1b, W2, is_neg)


def kernel(center_feat, neighbor_feats, W1, W2):
    B, D = center_feat.shape
    S = neighbor_feats.shape[1]
    ano = int(B * 0.1)
    batch_center = jnp.mean(center_feat, axis=-1)
    diff_center = jnp.sum(center_feat - batch_center[:, None], axis=-1)
    sorted_idx = jnp.argsort(diff_center)
    neg_idx = sorted_idx[B - ano:]
    is_neg = jnp.zeros((B,), jnp.float32).at[neg_idx].set(1.0)[:, None]
    flat = neighbor_feats.reshape(B * S, D).astype(jnp.bfloat16)
    out = _mlp_all_rows(center_feat, flat, W1, W1.astype(jnp.bfloat16), W2,
                        is_neg)
    return out, neg_idx

# --- scband reference (transcript-rebuilt; emitter-appended) ---
"""Pipeline reference for scband-adaptive-message-aggregator-34737695490358 (READ-ONLY COPY).

The authoritative reference and input builder live on the scoring server;
editing this copy changes nothing except your own understanding.
"""

import jax, jax.numpy as jnp
import numpy as np
import math

B = 16384
S = 32
D = 64
ANO_RATE = 0.1

def _xavier_uniform(key, shape, gain):
    fan_in, fan_out = shape[0], shape[1]
    bound = gain * math.sqrt(6.0 / (fan_in + fan_out))
    return jax.random.uniform(key, shape, dtype=jnp.float32, minval=-bound, maxval=bound)

def setup_inputs(seed: int = 0) -> dict:
    key = jax.random.key(seed)
    k1, k2, k3, k4 = jax.random.split(key, 4)
    center_feat = jax.random.normal(k1, (B, D), dtype=jnp.float32)
    neighbor_feats = jax.random.normal(k2, (B, S, D), dtype=jnp.float32)
    W1 = _xavier_uniform(k3, (D, D), 1.414)
    W2 = _xavier_uniform(k4, (D, D), 1.414)
    return {"center_feat": center_feat, "neighbor_feats": neighbor_feats, "W1": W1, "W2": W2}

def reference(center_feat, neighbor_feats, W1, W2):
    batch_center = jnp.mean(center_feat, axis=-1)
    diff_center = jnp.sum(center_feat - batch_center[:, None], axis=-1)
    sorted_idx = jnp.argsort(diff_center)
    bs = sorted_idx.shape[0]
    ano_num = int(bs * ANO_RATE)
    pos_idx = sorted_idx[: bs - ano_num]
    neg_idx = sorted_idx[bs - ano_num :]
    # MessageAggregationLayer on positive rows
    h_center = center_feat[pos_idx]
    h_neighbor = neighbor_feats[pos_idx]
    h_concated = jnp.concatenate((h_center[:, None, :], h_neighbor), axis=1)
    scores = jnp.tanh(jnp.matmul(h_concated, W1))
    agg_h = jnp.matmul(jnp.sum(scores * h_concated, axis=1), W2)
    agg_info = jnp.zeros(center_feat.shape, dtype=center_feat.dtype)
    agg_info = agg_info.at[pos_idx].set(agg_h)
    if ANO_RATE > 0.0:
        agg_info = agg_info.at[neg_idx].set(center_feat[neg_idx])
    return (agg_info, neg_idx)

if __name__ == "__main__":
    import jax
    _d = setup_inputs()
    print(jax.jit(kernel)(*tuple(_d.values())))

</pallas_src>

<mosaic_0001>
module attributes {stable_mosaic.version = 14 : i64} {
  func.func @_mlp_body(%arg0: i32, %arg1: memref<512x64xf32, #tpu.memory_space<vmem>>, %arg2: memref<16384x64xbf16, #tpu.memory_space<vmem>>, %arg3: memref<64x64xf32, #tpu.memory_space<vmem>>, %arg4: memref<64x64xbf16, #tpu.memory_space<vmem>>, %arg5: memref<64x64xf32, #tpu.memory_space<vmem>>, %arg6: memref<512x1xf32, #tpu.memory_space<vmem>>, %arg7: memref<512x64xf32, #tpu.memory_space<vmem>>) attributes {dimension_semantics = [#tpu.dimension_semantics<parallel>], iteration_bounds = array<i64: 32>, scalar_prefetch = 0 : i64, scratch_operands = 0 : i64, tpu.core_type = #tpu.core_type<tc>, window_params = [{transform_indices = @transform_0, window_bounds = array<i64: 512, 64>}, {transform_indices = @transform_1, window_bounds = array<i64: 16384, 64>}, {pipeline_mode = #tpu.pipeline_mode<synchronous>, transform_indices = @transform_2, window_bounds = array<i64: 64, 64>}, {pipeline_mode = #tpu.pipeline_mode<synchronous>, transform_indices = @transform_3, window_bounds = array<i64: 64, 64>}, {pipeline_mode = #tpu.pipeline_mode<synchronous>, transform_indices = @transform_4, window_bounds = array<i64: 64, 64>}, {transform_indices = @transform_5, window_bounds = array<i64: 512, 1>}, {transform_indices = @transform_6, window_bounds = array<i64: 512, 64>}]} {
    %get3A = arith.constant 0 : index
    %get3A_0 = arith.constant 0 : index
    %get3A_1 = vector.load %arg1[%get3A, %get3A_0] : memref<512x64xf32, #tpu.memory_space<vmem>>, vector<512x64xf32>
    %get3A_2 = arith.constant 0 : index
    %get3A_3 = arith.constant 0 : index
    %get3A_4 = vector.load %arg2[%get3A_2, %get3A_3] : memref<16384x64xbf16, #tpu.memory_space<vmem>>, vector<16384x64xbf16>
    %get3A_5 = arith.constant 0 : index
    %get3A_6 = arith.constant 0 : index
    %get3A_7 = vector.load %arg4[%get3A_5, %get3A_6] : memref<64x64xbf16, #tpu.memory_space<vmem>>, vector<64x64xbf16>
    %dot_general3A = arith.constant dense<0.000000e+00> : vector<16384x64xf32>
    %dot_general3A_8 = tpu.matmul %get3A_4, %get3A_7, %dot_general3A {dimension_numbers = #tpu.dot_dimension_numbers<[1], [0], [0], [1], [0, 0, 1, 1], [], []>, transpose_lhs_hint = false} : vector<16384x64xbf16>, vector<64x64xbf16>, vector<16384x64xf32> -> vector<16384x64xf32>
    %tanh3A = math.tanh %dot_general3A_8 : vector<16384x64xf32>
    %convert_element_type3A = arith.extf %get3A_4 : vector<16384x64xbf16> to vector<16384x64xf32>
    %mul3A = arith.mulf %tanh3A, %convert_element_type3A : vector<16384x64xf32>
    %reshape3A = vector.shape_cast %mul3A : vector<16384x64xf32> to vector<512x32x64xf32>
    %reduce_sum3A = arith.constant dense<0.000000e+00> : vector<512x64xf32>
    %reduce_sum3A_9 = vector.multi_reduction <add>, %reshape3A, %reduce_sum3A [1] : vector<512x32x64xf32> to vector<512x64xf32>
    %get3A_10 = arith.constant 0 : index
    %get3A_11 = arith.constant 0 : index
    %get3A_12 = vector.load %arg3[%get3A_10, %get3A_11] : memref<64x64xf32, #tpu.memory_space<vmem>>, vector<64x64xf32>
    %dot_general3A_13 = arith.constant dense<0.000000e+00> : vector<512x64xf32>
    %dot_general3A_14 = tpu.matmul %get3A_1, %get3A_12, %dot_general3A_13 {dimension_numbers = #tpu.dot_dimension_numbers<[1], [0], [0], [1], [0, 0, 1, 1], [], []>, transpose_lhs_hint = false} : vector<512x64xf32>, vector<64x64xf32>, vector<512x64xf32> -> vector<512x64xf32>
    %tanh3A_15 = math.tanh %dot_general3A_14 : vector<512x64xf32>
    %mul3A_16 = arith.mulf %tanh3A_15, %get3A_1 : vector<512x64xf32>
    %add3A = arith.addf %reduce_sum3A_9, %mul3A_16 : vector<512x64xf32>
    %get3A_17 = arith.constant 0 : index
    %get3A_18 = arith.constant 0 : index
    %get3A_19 = vector.load %arg5[%get3A_17, %get3A_18] : memref<64x64xf32, #tpu.memory_space<vmem>>, vector<64x64xf32>
    %dot_general3A_20 = arith.constant dense<0.000000e+00> : vector<512x64xf32>
    %dot_general3A_21 = tpu.matmul %add3A, %get3A_19, %dot_general3A_20 {dimension_numbers = #tpu.dot_dimension_numbers<[1], [0], [0], [1], [0, 0, 1, 1], [], []>, transpose_lhs_hint = false} : vector<512x64xf32>, vector<64x64xf32>, vector<512x64xf32> -> vector<512x64xf32>
    %get3A_22 = arith.constant 0 : index
    %get3A_23 = arith.constant 0 : index
    %get3A_24 = vector.load %arg6[%get3A_22, %get3A_23] : memref<512x1xf32, #tpu.memory_space<vmem>>, vector<512x1xf32>
    %gt3A = arith.constant 0.000000e+00 : f32
    %gt3A_25 = vector.broadcast %gt3A : f32 to vector<512x1xf32>
    %gt3A_26 = arith.cmpf ogt, %get3A_24, %gt3A_25 : vector<512x1xf32>
    %broadcast_in_dim3A = vector.shape_cast %gt3A_26 : vector<512x1xi1> to vector<512x1xi1>
    %broadcast_in_dim3A_27 = vector.broadcast %broadcast_in_dim3A : vector<512x1xi1> to vector<512x64xi1>
    %select_n3A = arith.select %broadcast_in_dim3A_27, %get3A_1, %dot_general3A_21 : vector<512x64xi1>, vector<512x64xf32>
    %swap3A = arith.constant 0 : index
    %swap3A_28 = arith.constant 0 : index
    %swap3A_29 = vector.load %arg7[%swap3A, %swap3A_28] : memref<512x64xf32, #tpu.memory_space<vmem>>, vector<512x64xf32>
    tpu.vector_store %arg7[%swap3A, %swap3A_28], %select_n3A {strides = array<i32>} : memref<512x64xf32, #tpu.memory_space<vmem>>, vector<512x64xf32>,
    return
  }
  func.func @transform_0(%arg0: i32) -> (i32, i32) {
    %c0_i32 = arith.constant 0 : i32
    %c0_i32_0 = arith.constant 0 : i32
    return %arg0, %c0_i32 : i32, i32
  }
  func.func @transform_1(%arg0: i32) -> (i32, i32) {
    %c0_i32 = arith.constant 0 : i32
    %c0_i32_0 = arith.constant 0 : i32
    return %arg0, %c0_i32 : i32, i32
  }
  func.func @transform_2(%arg0: i32) -> (i32, i32) {
    %c0_i32 = arith.constant 0 : i32
    %c0_i32_0 = arith.constant 0 : i32
    %c0_i32_1 = arith.constant 0 : i32
    return %c0_i32, %c0_i32_0 : i32, i32
  }
  func.func @transform_3(%arg0: i32) -> (i32, i32) {
    %c0_i32 = arith.constant 0 : i32
    %c0_i32_0 = arith.constant 0 : i32
    %c0_i32_1 = arith.constant 0 : i32
    return %c0_i32, %c0_i32_0 : i32, i32
  }
  func.func @transform_4(%arg0: i32) -> (i32, i32) {
    %c0_i32 = arith.constant 0 : i32
    %c0_i32_0 = arith.constant 0 : i32
    %c0_i32_1 = arith.constant 0 : i32
    return %c0_i32, %c0_i32_0 : i32, i32
  }
  func.func @transform_5(%arg0: i32) -> (i32, i32) {
    %c0_i32 = arith.constant 0 : i32
    %c0_i32_0 = arith.constant 0 : i32
    return %arg0, %c0_i32 : i32, i32
  }
  func.func @transform_6(%arg0: i32) -> (i32, i32) {
    %c0_i32 = arith.constant 0 : i32
    %c0_i32_0 = arith.constant 0 : i32
    return %arg0, %c0_i32 : i32, i32
  }
}

</mosaic_0001>

<sc_bundles>
// kernel: sparse-core-data-format-call.cloned.1.call-start
scs
called_computation_lowered:
.L_overlay_start_0:
0x0: {  	s1 =	sld [smem:$0x3FD9]  }
0x1: {  	s2 =	sld [smem:$0x3FFE];
	_ =	sdelay $0x1  }
0x2: {  	s3 =	srdreg.scid  }
0x3: {  	s0 =	sand.u32 $0x1, s3  }
0x4: {  	s17 =	sshll.u32 s0, $0xA;
	s1 =	sadd.s32 s2, s1  }
0x5: {  	s1 =	sadd.s32 s1, s17  }
0x6: {  	[smem:$0x3FC4] =	sst s1  }
0x7: {  	_ = 	snop  }
0x8: {  	(tm) =	ssettm $0x1  }
0x9: {  	s18 =	sld [smem:$0x3FFB];
	_ =	sdelay $0x3  }
0xa: {  	_ =	strace s18  }
0xb: {  	s1 =	sld [smem:$0x3FFC];
	_ =	sdelay $0x3  }
0xc: {  	_ =	strace s1  }
0xd: {  	s1 =	sld [smem:$0x3FFD];
	_ =	sdelay $0x3  }
0xe: {  	_ =	strace s1  }
0xf: {  	_ =	strace $0x8FFFFFFF  }
0x10: {  	s19 =	sld [smem:$0x3FDB];
	_ =	sdelay $0x1  }
0x11: {  	s20 =	simm.s32 $_scs_section_size  }
0x12: {  	s4 =	simm.s32 $_size__tile_overlayer_lowered;
	s5 =	simm.s32 $_tile_overlayer_lowered  }
0x13: {  	s23 =	simm.s32 $0x1BFF;
	s22 =	sshll.u32 s5, $0x1;
	s1 =	sadd.s32 s20, s19  }
0x14: {  	s6 =	simm.s32 $0x0;
	s21 =	sshll.u32 s4, $0x1;
	s4 =	sadd.s32 s22, s1  }
0x15: {  	[timem:s6], [sflag:s23] =	dma.local [hbm:s4], s21  }
0x16: {  	_ =	swait.ge [sflag:s23], s21  }
0x17: {  	s2 =	ssub.s32 $0x0, s21;
	[sflag:s23] =	ssyncset.done $0x0  }
0x18: {  	[sflag:s23] =	ssyncadd.s32 s2;
	_ =	sdelay $0x1  }
0x19: {  	s24 =	simm.s32 $0x1B8B  }
0x1a: {  	_ =	swait.ge [sflag:s24], $0x1  }
0x1b: {  	[sflag:s24] =	ssyncset.done $0x0  }
0x1c: {  	s26 =	simm.s32 $0x1B8E;
	s25 =	sld [smem:$0x3FFE];
	[sflag:s24] =	ssyncadd.s32 $0xFFFFFFFF  }
0x1d: {  	s27 =	simm.s32 $execute0_lowered;
	[smem:$0x3FD2] =	sst s26  }
0x1e: {  	s4 =	sshll.u32 s27, $0x1;
	_ =	strace $0x80000046;
	[dreg:$0x1] =	wrdreg $0xFFFFFFFF  }
0x1f: {  	s28 =	simm.s32 $_size_execute0_lowered;
	s1 =	sadd.s32 s1, s4;
	[dreg:$0x0] =	wrdreg $0x0  }
0x20: {  	s4 =	sshll.u32 s28, $0x1;
	[dreg:$0x2] =	wrdreg s1  }
0x21: {  	[dreg:$0x3] =	wrdreg s4  }
0x22: {  	[dreg:$0x4] =	wrdreg $0xC0  }
0x23: {  	_ =	task [dreg:s6], $0x5FFFF  }
0x24: {  	[dreg:$0x1] =	wrdreg $0xFFFFFFFF  }
0x25: {  	[dreg:$0x0] =	wrdreg $0x60  }
0x26: {  	[dreg:$0x2] =	wrdreg s25  }
0x27: {  	[dreg:$0x3] =	wrdreg $0x9  }
0x28: {  	_ =	task.clear_ibuf [dreg:s6], $0x4FFFF;
	_ =	strace $0x90000046  }
0x29: {  	s29 =	simm.s32 $0x9;
	_ =	strace $0x80000048  }
0x2a: {  	_ =	swait.ge [sflag:s29], $0x1  }
0x2b: {  	[sflag:s29] =	ssyncadd.s32 $0xFFFFFFFF  }
0x2c: {  	_ =	strace $0x90000048  }
0x2d: {  	_ =	sfence  }
0x2e: {  	s30 =	sld [smem:$0x0];
	_ =	sdelay $0x2  }
0x2f: {  	s31 =	sshll.u32 s3, $0xD;
	s3 =	sshrl.u32 s3, $0x2  }
0x30: {  	s2 =	sand.u32 $0x4000, s31;
	s1 =	sadd.s32 s3, s30  }
0x31: {  	s0 =	sor.u32 s2, s0;
	s1 =	sshll.u32 s1, $0x11  }
0x32: {  	s0 =	sor.u32 s1, s0  }
0x33: {  	s0 =	sadd.s32 $0x8F2B, s0  }
0x34: {  	[sflag:s0] =	ssyncadd.remote.s32 $0x1  }
0x35: {  	_ =	sfence.sel $0xFFFF  }
0x36: {  	[dreg:$0x0] =	wrdreg $0xFFFFFFFF;
	(pc) =	sbr.abs _section_cstart, $3  }
0x37: {  	[dreg:$0x1] =	wrdreg $0xFFFFFFFF  }
0x38: {  	_ =	task.clear_ibuf [dreg:s6], $0x2FFFF;
	_ =	strace $0x9FFFFFFF  }
0x39: {  	(tm) =	ssettm $0x7FFFFFFF  }
tec
execute0_lowered:
.L_overlay_start_1:
0x0: {  	(tag) =	ssettag $0x1  }
0x1: {  	s0 =	stileid.u32;
	s2 =	srdreg.scid;
	s7 =	simm.s32 $0x1  }
0x2: {  	s31 =	simm.s32 $0x2;
	s15 =	simm.s32 $0x0;
	s9 =	simm.s32 $0x800  }
0x3: {  	s14 =	simm.s32 $0x0;
	s16 =	simm.s32 $0x0;
	s11 =	simm.s32 $0x0  }
0x4: {  	s13 =	simm.s32 $0x0;
	s1 =	sshll.u32 s0, $0x1;
	s3 =	sshll.u32 s2, $0x8  }
0x5: {  	s2 =	rddreg [dreg:$0x0];
	s3 =	sand.u32 $0x100, s3;
	s4 =	ssub.s32 $0x20, s1  }
0x6: {  	s5 =	sshrl.u32 s4, $0x5;
	s4 =	sand.u32 $0x1E, s4;
	s6 =	ssub.s32 $0x4000, s3  }
0x7: {  	p0 =	sne.s32 s4, $0x0;
	s30 =	sshrl.u32 s6, $0x8;
	s6 =	sshrl.u32 s6, $0x9  }
.Ltmp0:
0x8: {  	s7 =	simm.s32 @!p0 $0x0;
	s8 =	sand.u32 $0x1, s30;
	(pc) =	sbr.rel .LBB1_1-.Ltmp0, $4  }
0x9: {  	s4 =	rddreg [dreg:$0x1];
	s7 =	sadd.s32 s7, s5;
	s6 =	sadd.s32 s6, s8  }
0xa: {  	_ =	strace $0x80000047;
	s5 =	simm.s32 $0x1;
	s6 =	smul.u32 s7, s6  }
0xb: {  	s12 =	smov.u32 s1;
	s10 =	smov.u32 s3;
	[sflag:s5] =	ssyncpa.u1 $0x0  }
0xc: {  	s7 =	sadd.s32 $0x200000, s2;
	[sflag:s31] =	ssyncpa.u1 $0x0;
	s8 =	sadd.s32 $0x1, s6  }
.LBB1_7:
0xd: {  	s17 =	sadd.s32 $0x200, s10  }
0xe: {  	s14 =	sadd.s32 $0x40, s11;
	s18 =	smov.u32 s11;
	p1 =	sgt.s32 s17, $0x3FFF  }
0xf: {  	s18 =	smov.u32 @p1 s14  }
0x10: {  	s20 =	smov.u32 s12;
	s14 =	sadd.s32 $0x20, s12;
	p2 =	sgt.s32 s18, $0x3F  }
0x11: {  	s20 =	smov.u32 @p2 s14  }
0x12: {  	s17 =	smov.u32 @p1 s3;
	p1 =	sgt.s32 s20, $0x1F  }
0x13: {  	p0 =	slt.u32 s13, $0x2;
	s20 =	smov.u32 @p1 s1;
	p1 =	sne.s32 s13, s8  }
.Ltmp1:
0x14: {  	s19 =	simm.s32 @!p0 $0x2;
	(pc) =	sbr.rel @!p1 .LBB1_8-.Ltmp1, $4  }
0x15: {  	s15 =	smov.u32 s10;
	_ =	swait.ge @!p0 [sflag:s19], $0x4000  }
0x16: {  	s16 =	smov.u32 s12;
	[sflag:s19] =	ssyncset.done @!p0 $0x0;
	s10 =	smov.u32 s17  }
0x17: {  	s18 =	simm.s32 @p2 $0x0;
	s14 =	smov.u32 s11;
	[sflag:s19] =	ssyncadd.s32 @!p0 $0xFFFFC000  }
0x18: {  	s11 =	smov.u32 s18;
	s13 =	sadd.s32 $0x1, s13;
	s12 =	smov.u32 s20  }
.LBB1_1:
0x19: {  	p0 =	sge.u32 s13, s6  }
0x1a: {  	s31 =	sadd.s32 $0xFFFFFFFF, s13;
	s17 =	sshll.u32 @!p0 s11, $0xE  }
0x1b: {  	s18 =	sxor.u32 @!p0 $0xFFFFFFFF, s13;
	s19 =	sshll.u32 @!p0 s10, $0x3;
	s20 =	sshll.u32 @!p0 s11, $0x7  }
0x1c: {  	s21 =	sshll.u32 @!p0 s10, $0x1;
	s17 =	sand.u32 @!p0 $0xE0000, s17;
	s20 =	sand.u32 @!p0 $0x300, s20  }
0x1d: {  	s21 =	sand.u32 @!p0 $0xF0, s21;
	s17 =	sadd.s32 @!p0 s17, s19;
	s19 =	sand.u32 @!p0 $0x3C00, s19  }
0x1e: {  	s19 =	sor.u32 @!p0 s20, s19;
	s20 =	sshll.u32 @!p0 s12, $0x10;
	s17 =	sshrl.u32 @!p0 s17, $0x4  }
0x1f: {  	s19 =	sor.u32 @!p0 s21, s19;
	s17 =	sand.u32 @!p0 $0xFC00, s17;
	s20 =	sadd.s32 @!p0 s2, s20  }
0x20: {  	s19 =	sshrl.u32 @!p0 s19, $0x4;
	s17 =	sadd.s32 @!p0 s17, s20;
	s20 =	sand.u32 @!p0 $0x7, s10  }
0x21: {  	s18 =	sshll.u32 @!p0 s18, $0xE;
	s17 =	sadd.s32 @!p0 s19, s17;
	s19 =	sshll.u32 @!p0 s20, $0x12  }
0x22: {  	s18 =	sand.u32 @!p0 $0x4000, s18;
	s20 =	simm.s32 @!p0 $0x10000;
	s19 =	sor.u32 @!p0 $0x400, s19  }
0x23: {  	[tilespmem:s18], [sflag:$0x1] =	stream.strided.gather @!p0 [hbm4b:s17+s19], $0x4000, s20, s19, $0x38;
	[tilespmem:$0x10200] =	vst v63  }
0x24: {  	p0 =	sge.u32 s31, s6  }
.Ltmp2:
0x25: {  	_ = 	snop;
	(pc) =	sbr.rel @p0 .LBB1_7-.Ltmp2, $1  }
0x26: {  	_ =	sdelay $0x3  }
0x27: {  	s17 =	sand.u32 $0x1, s13  }
0x28: {  	_ =	swait.ge [sflag:s5], $0x4000;
	s18 =	smul.u32 $0x10400, s17  }
0x29: {  	[sflag:s5] =	ssyncset.done $0x0  }
0x2a: {  	[sflag:s5] =	ssyncadd.s32 $0xFFFFC000;
	s19 =	sshrl.u32 s18, $0x2  }
0x2b: {  	s18 =	sshll.u32 s17, $0xE;
	s17 =	sor.u32 $0x8000, s19;
	s19 =	simm.s32 $0x0  }
.LBB1_3:
0x2c: {  	s20 =	sshll.u32 s19, $0x7  }
0x2d: {  	s21 =	sshll.u32 s19, $0x6;
	s20 =	sand.u32 $0x1C00, s20  }
0x2e: {  	s21 =	sand.u32 $0x180, s21;
	s20 =	sadd.s32 s20, s18  }
0x2f: {  	s23 =	sadd.s32 s21, s20  }
0x30: {  	s22 =	sshll.u32 s19, $0x1;
	v0 =	vmov s23  }
0x31: {  	p0 =	por $0x1, $0x1;
	s31 =	sor.u32 $0x2, s22  }
0x32: {  	s20 =	sshrl.u32 s22, $0x1;
	s21 =	sshrl.u32 s31, $0x1;
	s22 =	simm.s32 $0x0  }
.LBB1_4:
0x33: {  	s23 =	sshll.u32 s22, $0x2  }
0x34: {  	s23 =	sand.u32 $0x3FFFFFFC, s23  }
0x35: {  	v1 =	vld.idx.msk [tilespmem:v0+s23+$0x0 ss:$0x1], $0xffff  }
0x36: {  	v2 =	vld.idx.msk [tilespmem:v0+s23+$0x2000 ss:$0x1], $0xffff  }
0x37: {  	v3 =	vld.idx.msk [tilespmem:v0+s23+$0x10 ss:$0x1], $0xffff  }
0x38: {  	s26 =	smul.u32 $0x104, s22;
	v4 =	vld.idx.msk [tilespmem:v0+s23+$0x2010 ss:$0x1], $0xffff  }
0x39: {  	v5 =	vld.idx.msk [tilespmem:v0+s23+$0x20 ss:$0x1], $0xffff  }
0x3a: {  	s22 =	sshra.s32 s26, $0x2;
	v6 =	vld.idx.msk [tilespmem:v0+s23+$0x2020 ss:$0x1], $0xffff  }
0x3b: {  	v9 =	vld.idx.msk [tilespmem:v0+s23+$0x30 ss:$0x1], $0xffff;
	s22 =	sadd.s32 s22, s17;
	v7 =	vunpack.i.l.s16.s32 v1;
	v8 =	vunpack.i.l.s16.s32 v2  }
0x3c: {  	v51 =	vld.idx.msk [tilespmem:v0+s23+$0x2030 ss:$0x1], $0xffff;
	s24 =	sadd.s32 s20, s22;
	v1 =	vunpack.i.u.s16.s32 v1;
	v2 =	vunpack.i.u.s16.s32 v2;
	v7 =	vpack.i.b32.b16 v8, v7  }
0x3d: {  	v10 =	vld.idx.msk [tilespmem:v0+s23+$0x40 ss:$0x1], $0xffff;
	s27 =	sadd.s32 s21, s22;
	s25 =	sadd.s32 $0x410, s22;
	v52 =	vunpack.i.l.s16.s32 v4;
	v1 =	vpack.i.b32.b16 v2, v1;
	v2 =	vunpack.i.l.s16.s32 v3;
	[tilespmem:s24+$0x0 ss:$0x41] =	vst.msk $0xffff, v7  }
0x3e: {  	v53 =	vld.idx.msk [tilespmem:v0+s23+$0x2040 ss:$0x1], $0xffff;
	s28 =	sadd.s32 s20, s25;
	v2 =	vpack.i.b32.b16 v52, v2;
	[tilespmem:s27+$0x0 ss:$0x41] =	vst.msk $0xffff, v1;
	v1 =	vunpack.i.u.s16.s32 v3;
	v3 =	vunpack.i.u.s16.s32 v4  }
0x3f: {  	v54 =	vld.idx.msk [tilespmem:v0+s23+$0x50 ss:$0x1], $0xffff;
	s30 =	sadd.s32 $0x820, s22;
	s29 =	sadd.s32 s21, s25;
	[tilespmem:s28+$0x0 ss:$0x41] =	vst.msk $0xffff, v2;
	v2 =	vunpack.i.l.s16.s32 v5;
	v1 =	vpack.i.b32.b16 v3, v1;
	v3 =	vunpack.i.l.s16.s32 v6  }
0x40: {  	s31 =	sadd.s32 s20, s30;
	v55 =	vunpack.i.u.s16.s32 v6;
	[tilespmem:s29+$0x0 ss:$0x41] =	vst.msk $0xffff, v1;
	v1 =	vunpack.i.u.s16.s32 v5;
	v2 =	vpack.i.b32.b16 v3, v2;
	v3 =	vld.idx.msk [tilespmem:v0+s23+$0x2050 ss:$0x1], $0xffff  }
0x41: {  	v57 =	vld.idx.msk [tilespmem:v0+s23+$0x60 ss:$0x1], $0xffff;
	s26 =	sadd.s32 s21, s30;
	v56 =	vunpack.i.l.s16.s32 v51;
	s27 =	sadd.s32 $0xC30, s22;
	[tilespmem:s31+$0x0 ss:$0x41] =	vst.msk $0xffff, v2;
	v1 =	vpack.i.b32.b16 v55, v1;
	v2 =	vunpack.i.l.s16.s32 v9  }
0x42: {  	v58 =	vld.idx.msk [tilespmem:v0+s23+$0x2060 ss:$0x1], $0xffff;
	v8 =	vunpack.i.u.s16.s32 v51;
	s28 =	sadd.s32 s20, s27;
	[tilespmem:s26+$0x0 ss:$0x41] =	vst.msk $0xffff, v1;
	v1 =	vunpack.i.u.s16.s32 v9;
	v2 =	vpack.i.b32.b16 v56, v2  }
0x43: {  	v60 =	vld.idx.msk [tilespmem:v0+s23+$0x70 ss:$0x1], $0xffff;
	s30 =	sadd.s32 $0x1040, s22;
	v59 =	vunpack.i.l.s16.s32 v53;
	s29 =	sadd.s32 s21, s27;
	[tilespmem:s28+$0x0 ss:$0x41] =	vst.msk $0xffff, v2;
	v1 =	vpack.i.b32.b16 v8, v1;
	v2 =	vunpack.i.l.s16.s32 v10  }
0x44: {  	v61 =	vld.idx.msk [tilespmem:v0+s23+$0x2070 ss:$0x1], $0xffff;
	v4 =	vunpack.i.u.s16.s32 v53;
	s31 =	sadd.s32 s20, s30;
	[tilespmem:s29+$0x0 ss:$0x41] =	vst.msk $0xffff, v1;
	v1 =	vunpack.i.u.s16.s32 v10;
	v2 =	vpack.i.b32.b16 v59, v2  }
0x45: {  	s25 =	sadd.s32 $0x1450, s22;
	s24 =	sadd.s32 s21, s30;
	[tilespmem:s31+$0x0 ss:$0x41] =	vst.msk $0xffff, v2;
	v1 =	vpack.i.b32.b16 v4, v1;
	v2 =	vunpack.i.l.s16.s32 v54;
	v62 =	vunpack.i.l.s16.s32 v3  }
0x46: {  	s26 =	sadd.s32 s20, s25;
	v3 =	vunpack.i.u.s16.s32 v3;
	[tilespmem:s24+$0x0 ss:$0x41] =	vst.msk $0xffff, v1;
	v1 =	vpack.i.b32.b16 v62, v2;
	v2 =	vunpack.i.u.s16.s32 v54  }
0x47: {  	p1 =	por p0, p0;
	s27 =	sadd.s32 s21, s25;
	s28 =	sadd.s32 $0x1860, s22;
	[tilespmem:s26+$0x0 ss:$0x41] =	vst.msk $0xffff, v1;
	v1 =	vpack.i.b32.b16 v3, v2;
	v2 =	vunpack.i.l.s16.s32 v57;
	v3 =	vunpack.i.l.s16.s32 v58  }
.Ltmp3:
0x48: {  	s29 =	sadd.s32 s20, s28;
	[tilespmem:s27+$0x0 ss:$0x41] =	vst.msk $0xffff, v1;
	v1 =	vpack.i.b32.b16 v3, v2;
	v2 =	vunpack.i.u.s16.s32 v57;
	v3 =	vunpack.i.u.s16.s32 v58;
	(pc) =	sbr.rel @p1 .LBB1_4-.Ltmp3, $4  }
0x49: {  	s22 =	sadd.s32 $0x1C70, s22;
	s30 =	sadd.s32 s21, s28;
	[tilespmem:s29+$0x0 ss:$0x41] =	vst.msk $0xffff, v1;
	v1 =	vpack.i.b32.b16 v3, v2;
	v2 =	vunpack.i.l.s16.s32 v60;
	v3 =	vunpack.i.l.s16.s32 v61  }
0x4a: {  	v63 =	vunpack.i.u.s16.s32 v61;
	s31 =	sadd.s32 s20, s22;
	[tilespmem:s30+$0x0 ss:$0x41] =	vst.msk $0xffff, v1;
	v1 =	vunpack.i.u.s16.s32 v60;
	v2 =	vpack.i.b32.b16 v3, v2  }
0x4b: {  	s22 =	sadd.s32 s21, s22;
	[tilespmem:s31+$0x0 ss:$0x41] =	vst.msk $0xffff, v2;
	v1 =	vpack.i.b32.b16 v63, v1  }
0x4c: {  	p0 =	por $0x0, $0x0;
	[tilespmem:s22+$0x0 ss:$0x41] =	vst.msk $0xffff, v1;
	s22 =	simm.s32 $0x80  }
0x4d: {  	p0 =	slt.u32 s19, $0x3E  }
.Ltmp4:
0x4e: {  	_ = 	snop;
	(pc) =	sbr.rel @p0 .LBB1_3-.Ltmp4, $3  }
0x4f: {  	_ =	sdelay $0x1  }
0x50: {  	s20 =	sadd.s32 $0x2, s19  }
0x51: {  	s19 =	smov.u32 s20  }
0x52: {  	s16 =	sshll.u32 s16, $0x7;
	s18 =	sshll.u32 s14, $0x3  }
0x53: {  	s28 =	sshll.u32 s14, $0x1;
	s19 =	sand.u32 $0xC00, s16;
	s18 =	sand.u32 $0xC00, s18  }
0x54: {  	s15 =	sshll.u32 s15, $0x8;
	s16 =	sand.u32 $0x300, s16;
	s18 =	sadd.s32 s19, s18  }
0x55: {  	s30 =	sshrl.u32 s14, $0x3;
	s29 =	sand.u32 $0x80, s28;
	s16 =	sor.u32 s16, s18  }
.Ltmp5:
0x56: {  	s31 =	sand.u32 $0x7, s14;
	s16 =	sor.u32 s29, s16;
	(pc) =	sbr.rel .LBB1_7-.Ltmp5, $4  }
0x57: {  	s15 =	sadd.s32 s7, s15;
	s18 =	sand.u32 $0x7, s30;
	s16 =	sshrl.u32 s16, $0x4  }
0x58: {  	s14 =	sshll.u32 s31, $0x12;
	s15 =	sadd.s32 s18, s15;
	s16 =	sand.u32 $0xF8, s16  }
0x59: {  	s14 =	sor.u32 $0x40, s14;
	s15 =	sadd.s32 s16, s15  }
0x5a: {  	[hbm4b:s15+s14] =	stream.strided.scatter [tilespmem:s17], [sflag:$0x2], $0x4000, s9, s14, $0x18;
	[tilespmem:$0x10200] =	vst v63  }
.LBB1_8:
0x5b: {  	_ =	sfence.sel $0x180000  }
0x5c: {  	s1 =	simm.s32 $0x1;
	[bflag:$0x0] =	sbarrier.arrive $0xFFFF  }
0x5d: {  	s31 =	simm.s32 $0x2;
	[sflag:s1] =	ssyncpa.u1 $0x1  }
0x5e: {  	[sflag:s31] =	ssyncpa.u1 $0x1  }
0x5f: {  	p0 =	sne.s32 s0, $0x0;
	_ =	strace $0x90000047  }
0x60: {  	s0 =	sadd.s32 @!p0 $0x100000, s4;
	[bflag:$0x2] =	sbarrier.arrive $0xFFFF  }
0x61: {  	[sflag:s0] =	ssyncadd.tile.s32 @!p0 $0x1;
	_ =	shalt  }
.Lfunc_end1:
_tile_overlayer_lowered:
.L_overlay_start_2:
0x62: {  	(tag) =	ssettag $0x2  }
0x63: {  	s0 =	rddreg [dreg:$0x0];
	s2 =	stileid.u32  }
0x64: {  	s1 =	rddreg [dreg:$0x1];
	p0 =	sne.s32 s2, $0x0  }
0x65: {  	s3 =	rddreg [dreg:$0x2];
	[bflag:$0x3] =	sbarrier.arrive $0xFFFF;
	s2 =	simm.s32 @!p0 $0x1C01  }
0x66: {  	[timem:s3], [sflag:s2] =	dma.local @!p0 [hbm:s0], s1  }
0x67: {  	s0 =	simm.s32 @!p0 $0x1  }
0x68: {  	_ =	swait.ge @!p0 [sflag:s0], s1  }
0x69: {  	s1 =	ssub.s32 @!p0 $0x0, s1;
	[sflag:s0] =	ssyncset.done @!p0 $0x0  }
0x6a: {  	[sflag:s0] =	ssyncadd.s32 @!p0 s1  }
0x6b: {  	[bflag:$0x3] =	sbarrier.arrive $0xFFFF  }
0x6c: {  	_ =	shalt  }

</sc_bundles>
